<compile_context>
chip_gen: v7x
topology: tpu7x:2x2x1
jax: 0.10.2.dev20260603
libtpu: 0.0.44.dev20260713+nightly
codegen_flags: <defaults>
</compile_context>

<pallas_src>
import jax
import jax.numpy as jnp
from functools import partial
from jax.experimental import pallas as pl
from jax.experimental.pallas import tpu as pltpu


def _fused_kernel(x_ref, adj_ref, xgb_ref, wbd_ref, wbil_ref, bias_ref,
                  a_ref, b_ref, out_ref, prevc_scr, v0_scr,
                  *, BS, S, F, H, B, NB):
    i = pl.program_id(0)

    x2 = x_ref[...]
    adj2 = adj_ref[...]
    a = a_ref[...]
    b = b_ref[...]

    mixed = []
    for ii in range(S):
        acc = x2[:, 0:F] * adj2[:, ii * S:ii * S + 1]
        for j in range(1, S):
            acc = acc + x2[:, j * F:(j + 1) * F] * adj2[:, ii * S + j:ii * S + j + 1]
        mixed.append(acc)
    mcat = jnp.concatenate(mixed, axis=1)

    o = jnp.dot(mcat, wbd_ref[...], preferred_element_type=jnp.float32)
    o = o + bias_ref[...]
    t = jnp.where(o >= 0, o, a * o)
    h = jnp.maximum(t, 0.0)

    c = h[:, 0:H]
    for j in range(1, S - 1):
        c = c + h[:, j * H:(j + 1) * H]
    c = c * (1.0 / (S - 1))
    hmv = 0.5 * h[:, (S - 1) * H:S * H] + xgb_ref[...]
    v = jnp.dot(hmv, wbil_ref[...], preferred_element_type=jnp.float32)

    prev_c = prevc_scr[...]
    prevc_scr[...] = c[BS - 1:, :]

    @pl.when(i == 0)
    def _():
        v0_scr[...] = v[0:1, :]

    cr = jnp.concatenate([prev_c, c[:BS - 1, :]], axis=0)
    s1 = jnp.sum(v * c, axis=1, keepdims=True)
    s2 = jnp.sum(v * cr, axis=1, keepdims=True)
    out_ref[pl.ds(i * BS, BS), :] = s1 + b
    out_ref[pl.ds(B + i * BS, BS), :] = s2 + b

    @pl.when(i == NB - 1)
    def _():
        patch = jnp.sum(v0_scr[...] * c[BS - 1:, :], axis=1, keepdims=True)
        out_ref[B:B + 1, :] = patch + b


@jax.jit
def kernel(x, adj, x_g_b, W_fc, bias_gc, prelu_a, W_bil, b_bil):
    B, S, F = x.shape
    H = W_fc.shape[0]
    BS = 512
    NB = B // BS

    eye = jnp.eye(S, dtype=W_fc.dtype)
    wbd = jnp.einsum('pq,hf->pfqh', eye, W_fc).reshape(S * F, S * H)
    wbil = W_bil.reshape(H, H)
    biascat = jnp.tile(bias_gc, (S,)).reshape(1, S * H)
    a2 = jnp.reshape(prelu_a, (1, 1)).astype(jnp.float32)
    b2 = jnp.reshape(b_bil, (1, 1)).astype(jnp.float32)

    body = partial(_fused_kernel, BS=BS, S=S, F=F, H=H, B=B, NB=NB)
    out = pl.pallas_call(
        body,
        grid=(NB,),
        in_specs=[
            pl.BlockSpec((BS, S * F), lambda i: (i, 0)),
            pl.BlockSpec((BS, S * S), lambda i: (i, 0)),
            pl.BlockSpec((BS, H), lambda i: (i, 0)),
            pl.BlockSpec((S * F, S * H), lambda i: (0, 0)),
            pl.BlockSpec((H, H), lambda i: (0, 0)),
            pl.BlockSpec((1, S * H), lambda i: (0, 0)),
            pl.BlockSpec((1, 1), lambda i: (0, 0)),
            pl.BlockSpec((1, 1), lambda i: (0, 0)),
        ],
        out_specs=pl.BlockSpec((2 * B, 1), lambda i: (0, 0)),
        out_shape=jax.ShapeDtypeStruct((2 * B, 1), jnp.float32),
        scratch_shapes=[pltpu.VMEM((1, H), jnp.float32),
                        pltpu.VMEM((1, H), jnp.float32)],
    )(x.reshape(B, S * F), adj.reshape(B, S * S), x_g_b, wbd, wbil, biascat, a2, b2)

    return out

# --- scband reference (transcript-rebuilt; emitter-appended) ---
"""Pipeline reference for scband-sm-75969381532440 (READ-ONLY COPY).

The authoritative reference and input builder live on the scoring server;
editing this copy changes nothing except your own understanding.
"""

import jax, jax.numpy as jnp
import numpy as np

B, S, F, H = 16384, 4, 128, 64
NEGSAMP = 1

def setup_inputs(seed: int = 0) -> dict:
    key = jax.random.key(seed)
    k = [jax.random.fold_in(key, i) for i in range(8)]
    x = jax.random.normal(k[0], (B, S, F), dtype=jnp.float32)
    adj = jax.random.uniform(k[1], (B, S, S), dtype=jnp.float32)
    x_g_b = jax.random.normal(k[2], (B, H), dtype=jnp.float32)
    # GCN linear (no bias in fc), xavier-uniform-ish
    lim = np.sqrt(6.0 / (F + H)).astype(np.float32)
    W_fc = jax.random.uniform(k[3], (H, F), dtype=jnp.float32, minval=-lim, maxval=lim)
    bias_gc = jnp.zeros((H,), dtype=jnp.float32)
    prelu_a = jnp.asarray(0.25, dtype=jnp.float32)
    limb = np.sqrt(6.0 / (H + H)).astype(np.float32)
    W_bil = jax.random.uniform(k[4], (1, H, H), dtype=jnp.float32, minval=-limb, maxval=limb)
    b_bil = jnp.zeros((1,), dtype=jnp.float32)
    return {"x": x, "adj": adj, "x_g_b": x_g_b, "W_fc": W_fc, "bias_gc": bias_gc, "prelu_a": prelu_a, "W_bil": W_bil, "b_bil": b_bil}

def reference(x, adj, x_g_b, W_fc, bias_gc, prelu_a, W_bil, b_bil):
    # GraphConvolution: fc -> bmm(adj, .) -> +bias -> PReLU
    seq_fts = jnp.einsum('bsf,hf->bsh', x, W_fc)
    out = jnp.einsum('bij,bjh->bih', adj, seq_fts) + bias_gc
    out = jnp.where(out >= 0, out, prelu_a * out)  # PReLU (scalar a)
    # Encoder: relu + dropout (eval mode -> identity)
    h = jax.nn.relu(out)
    # AvgReadout over all but last node
    c = jnp.mean(h[:, :-1, :], axis=1)
    # h_mv computed under no_grad then made a leaf -> stop_gradient
    h_mv = jax.lax.stop_gradient(0.5 * h[:, -1, :] + x_g_b)
    def bilin(hp, cc):
        return jnp.einsum('bi,oij,bj->bo', hp, W_bil, cc) + b_bil
    scs = [bilin(h_mv, c)]
    c_mi = c
    for _ in range(NEGSAMP):
        c_mi = jnp.concatenate([c_mi[-1:, :], c_mi[:-1, :]], axis=0)
        scs.append(bilin(h_mv, c_mi))
    logits = jnp.concatenate(scs, axis=0)
    return logits

if __name__ == "__main__":
    import jax
    _d = setup_inputs()
    print(jax.jit(kernel)(*tuple(_d.values())))

</pallas_src>

<mosaic_0001>
module attributes {stable_mosaic.version = 14 : i64} {
  func.func @_fused_kernel(%arg0: i32, %arg1: memref<512x512xf32, #tpu.memory_space<vmem>>, %arg2: memref<512x16xf32, #tpu.memory_space<vmem>>, %arg3: memref<512x64xf32, #tpu.memory_space<vmem>>, %arg4: memref<512x256xf32, #tpu.memory_space<vmem>>, %arg5: memref<64x64xf32, #tpu.memory_space<vmem>>, %arg6: memref<1x256xf32, #tpu.memory_space<vmem>>, %arg7: memref<1x1xf32, #tpu.memory_space<vmem>>, %arg8: memref<1x1xf32, #tpu.memory_space<vmem>>, %arg9: memref<32768x1xf32, #tpu.memory_space<vmem>>, %arg10: memref<1x64xf32, #tpu.memory_space<vmem>>, %arg11: memref<1x64xf32, #tpu.memory_space<vmem>>) attributes {dimension_semantics = [#tpu.dimension_semantics<arbitrary>], iteration_bounds = array<i64: 32>, scalar_prefetch = 0 : i64, scratch_operands = 2 : i64, tpu.core_type = #tpu.core_type<tc>, window_params = [{transform_indices = @transform_0, window_bounds = array<i64: 512, 512>}, {transform_indices = @transform_1, window_bounds = array<i64: 512, 16>}, {transform_indices = @transform_2, window_bounds = array<i64: 512, 64>}, {pipeline_mode = #tpu.pipeline_mode<synchronous>, transform_indices = @transform_3, window_bounds = array<i64: 512, 256>}, {pipeline_mode = #tpu.pipeline_mode<synchronous>, transform_indices = @transform_4, window_bounds = array<i64: 64, 64>}, {pipeline_mode = #tpu.pipeline_mode<synchronous>, transform_indices = @transform_5, window_bounds = array<i64: 1, 256>}, {pipeline_mode = #tpu.pipeline_mode<synchronous>, transform_indices = @transform_6, window_bounds = array<i64: 1, 1>}, {pipeline_mode = #tpu.pipeline_mode<synchronous>, transform_indices = @transform_7, window_bounds = array<i64: 1, 1>}, {pipeline_mode = #tpu.pipeline_mode<synchronous>, transform_indices = @transform_8, window_bounds = array<i64: 32768, 1>}]} {
    %get3A = arith.constant 0 : index
    %get3A_0 = arith.constant 0 : index
    %get3A_1 = vector.load %arg1[%get3A, %get3A_0] : memref<512x512xf32, #tpu.memory_space<vmem>>, vector<512x512xf32>
    %get3A_2 = arith.constant 0 : index
    %get3A_3 = arith.constant 0 : index
    %get3A_4 = vector.load %arg2[%get3A_2, %get3A_3] : memref<512x16xf32, #tpu.memory_space<vmem>>, vector<512x16xf32>
    %get3A_5 = arith.constant 0 : index
    %get3A_6 = arith.constant 0 : index
    %get3A_7 = vector.load %arg7[%get3A_5, %get3A_6] : memref<1x1xf32, #tpu.memory_space<vmem>>, vector<1x1xf32>
    %get3A_8 = arith.constant 0 : index
    %get3A_9 = arith.constant 0 : index
    %get3A_10 = vector.load %arg8[%get3A_8, %get3A_9] : memref<1x1xf32, #tpu.memory_space<vmem>>, vector<1x1xf32>
    %slice3A = vector.extract_strided_slice %get3A_1 {offsets = [0, 0], sizes = [512, 128], strides = [1, 1]} : vector<512x512xf32> to vector<512x128xf32>
    %slice3A_11 = vector.extract_strided_slice %get3A_4 {offsets = [0, 0], sizes = [512, 1], strides = [1, 1]} : vector<512x16xf32> to vector<512x1xf32>
    %mul3A = vector.broadcast %slice3A_11 : vector<512x1xf32> to vector<512x128xf32>
    %mul3A_12 = arith.mulf %slice3A, %mul3A : vector<512x128xf32>
    %slice3A_13 = vector.extract_strided_slice %get3A_1 {offsets = [0, 128], sizes = [512, 128], strides = [1, 1]} : vector<512x512xf32> to vector<512x128xf32>
    %slice3A_14 = vector.extract_strided_slice %get3A_4 {offsets = [0, 1], sizes = [512, 1], strides = [1, 1]} : vector<512x16xf32> to vector<512x1xf32>
    %mul3A_15 = vector.broadcast %slice3A_14 : vector<512x1xf32> to vector<512x128xf32>
    %mul3A_16 = arith.mulf %slice3A_13, %mul3A_15 : vector<512x128xf32>
    %add3A = arith.addf %mul3A_12, %mul3A_16 : vector<512x128xf32>
    %slice3A_17 = vector.extract_strided_slice %get3A_1 {offsets = [0, 256], sizes = [512, 128], strides = [1, 1]} : vector<512x512xf32> to vector<512x128xf32>
    %slice3A_18 = vector.extract_strided_slice %get3A_4 {offsets = [0, 2], sizes = [512, 1], strides = [1, 1]} : vector<512x16xf32> to vector<512x1xf32>
    %mul3A_19 = vector.broadcast %slice3A_18 : vector<512x1xf32> to vector<512x128xf32>
    %mul3A_20 = arith.mulf %slice3A_17, %mul3A_19 : vector<512x128xf32>
    %add3A_21 = arith.addf %add3A, %mul3A_20 : vector<512x128xf32>
    %slice3A_22 = vector.extract_strided_slice %get3A_1 {offsets = [0, 384], sizes = [512, 128], strides = [1, 1]} : vector<512x512xf32> to vector<512x128xf32>
    %slice3A_23 = vector.extract_strided_slice %get3A_4 {offsets = [0, 3], sizes = [512, 1], strides = [1, 1]} : vector<512x16xf32> to vector<512x1xf32>
    %mul3A_24 = vector.broadcast %slice3A_23 : vector<512x1xf32> to vector<512x128xf32>
    %mul3A_25 = arith.mulf %slice3A_22, %mul3A_24 : vector<512x128xf32>
    %add3A_26 = arith.addf %add3A_21, %mul3A_25 : vector<512x128xf32>
    %slice3A_27 = vector.extract_strided_slice %get3A_1 {offsets = [0, 0], sizes = [512, 128], strides = [1, 1]} : vector<512x512xf32> to vector<512x128xf32>
    %slice3A_28 = vector.extract_strided_slice %get3A_4 {offsets = [0, 4], sizes = [512, 1], strides = [1, 1]} : vector<512x16xf32> to vector<512x1xf32>
    %mul3A_29 = vector.broadcast %slice3A_28 : vector<512x1xf32> to vector<512x128xf32>
    %mul3A_30 = arith.mulf %slice3A_27, %mul3A_29 : vector<512x128xf32>
    %slice3A_31 = vector.extract_strided_slice %get3A_1 {offsets = [0, 128], sizes = [512, 128], strides = [1, 1]} : vector<512x512xf32> to vector<512x128xf32>
    %slice3A_32 = vector.extract_strided_slice %get3A_4 {offsets = [0, 5], sizes = [512, 1], strides = [1, 1]} : vector<512x16xf32> to vector<512x1xf32>
    %mul3A_33 = vector.broadcast %slice3A_32 : vector<512x1xf32> to vector<512x128xf32>
    %mul3A_34 = arith.mulf %slice3A_31, %mul3A_33 : vector<512x128xf32>
    %add3A_35 = arith.addf %mul3A_30, %mul3A_34 : vector<512x128xf32>
    %slice3A_36 = vector.extract_strided_slice %get3A_1 {offsets = [0, 256], sizes = [512, 128], strides = [1, 1]} : vector<512x512xf32> to vector<512x128xf32>
    %slice3A_37 = vector.extract_strided_slice %get3A_4 {offsets = [0, 6], sizes = [512, 1], strides = [1, 1]} : vector<512x16xf32> to vector<512x1xf32>
    %mul3A_38 = vector.broadcast %slice3A_37 : vector<512x1xf32> to vector<512x128xf32>
    %mul3A_39 = arith.mulf %slice3A_36, %mul3A_38 : vector<512x128xf32>
    %add3A_40 = arith.addf %add3A_35, %mul3A_39 : vector<512x128xf32>
    %slice3A_41 = vector.extract_strided_slice %get3A_1 {offsets = [0, 384], sizes = [512, 128], strides = [1, 1]} : vector<512x512xf32> to vector<512x128xf32>
    %slice3A_42 = vector.extract_strided_slice %get3A_4 {offsets = [0, 7], sizes = [512, 1], strides = [1, 1]} : vector<512x16xf32> to vector<512x1xf32>
    %mul3A_43 = vector.broadcast %slice3A_42 : vector<512x1xf32> to vector<512x128xf32>
    %mul3A_44 = arith.mulf %slice3A_41, %mul3A_43 : vector<512x128xf32>
    %add3A_45 = arith.addf %add3A_40, %mul3A_44 : vector<512x128xf32>
    %slice3A_46 = vector.extract_strided_slice %get3A_1 {offsets = [0, 0], sizes = [512, 128], strides = [1, 1]} : vector<512x512xf32> to vector<512x128xf32>
    %slice3A_47 = vector.extract_strided_slice %get3A_4 {offsets = [0, 8], sizes = [512, 1], strides = [1, 1]} : vector<512x16xf32> to vector<512x1xf32>
    %mul3A_48 = vector.broadcast %slice3A_47 : vector<512x1xf32> to vector<512x128xf32>
    %mul3A_49 = arith.mulf %slice3A_46, %mul3A_48 : vector<512x128xf32>
    %slice3A_50 = vector.extract_strided_slice %get3A_1 {offsets = [0, 128], sizes = [512, 128], strides = [1, 1]} : vector<512x512xf32> to vector<512x128xf32>
    %slice3A_51 = vector.extract_strided_slice %get3A_4 {offsets = [0, 9], sizes = [512, 1], strides = [1, 1]} : vector<512x16xf32> to vector<512x1xf32>
    %mul3A_52 = vector.broadcast %slice3A_51 : vector<512x1xf32> to vector<512x128xf32>
    %mul3A_53 = arith.mulf %slice3A_50, %mul3A_52 : vector<512x128xf32>
    %add3A_54 = arith.addf %mul3A_49, %mul3A_53 : vector<512x128xf32>
    %slice3A_55 = vector.extract_strided_slice %get3A_1 {offsets = [0, 256], sizes = [512, 128], strides = [1, 1]} : vector<512x512xf32> to vector<512x128xf32>
    %slice3A_56 = vector.extract_strided_slice %get3A_4 {offsets = [0, 10], sizes = [512, 1], strides = [1, 1]} : vector<512x16xf32> to vector<512x1xf32>
    %mul3A_57 = vector.broadcast %slice3A_56 : vector<512x1xf32> to vector<512x128xf32>
    %mul3A_58 = arith.mulf %slice3A_55, %mul3A_57 : vector<512x128xf32>
    %add3A_59 = arith.addf %add3A_54, %mul3A_58 : vector<512x128xf32>
    %slice3A_60 = vector.extract_strided_slice %get3A_1 {offsets = [0, 384], sizes = [512, 128], strides = [1, 1]} : vector<512x512xf32> to vector<512x128xf32>
    %slice3A_61 = vector.extract_strided_slice %get3A_4 {offsets = [0, 11], sizes = [512, 1], strides = [1, 1]} : vector<512x16xf32> to vector<512x1xf32>
    %mul3A_62 = vector.broadcast %slice3A_61 : vector<512x1xf32> to vector<512x128xf32>
    %mul3A_63 = arith.mulf %slice3A_60, %mul3A_62 : vector<512x128xf32>
    %add3A_64 = arith.addf %add3A_59, %mul3A_63 : vector<512x128xf32>
    %slice3A_65 = vector.extract_strided_slice %get3A_1 {offsets = [0, 0], sizes = [512, 128], strides = [1, 1]} : vector<512x512xf32> to vector<512x128xf32>
    %slice3A_66 = vector.extract_strided_slice %get3A_4 {offsets = [0, 12], sizes = [512, 1], strides = [1, 1]} : vector<512x16xf32> to vector<512x1xf32>
    %mul3A_67 = vector.broadcast %slice3A_66 : vector<512x1xf32> to vector<512x128xf32>
    %mul3A_68 = arith.mulf %slice3A_65, %mul3A_67 : vector<512x128xf32>
    %slice3A_69 = vector.extract_strided_slice %get3A_1 {offsets = [0, 128], sizes = [512, 128], strides = [1, 1]} : vector<512x512xf32> to vector<512x128xf32>
    %slice3A_70 = vector.extract_strided_slice %get3A_4 {offsets = [0, 13], sizes = [512, 1], strides = [1, 1]} : vector<512x16xf32> to vector<512x1xf32>
    %mul3A_71 = vector.broadcast %slice3A_70 : vector<512x1xf32> to vector<512x128xf32>
    %mul3A_72 = arith.mulf %slice3A_69, %mul3A_71 : vector<512x128xf32>
    %add3A_73 = arith.addf %mul3A_68, %mul3A_72 : vector<512x128xf32>
    %slice3A_74 = vector.extract_strided_slice %get3A_1 {offsets = [0, 256], sizes = [512, 128], strides = [1, 1]} : vector<512x512xf32> to vector<512x128xf32>
    %slice3A_75 = vector.extract_strided_slice %get3A_4 {offsets = [0, 14], sizes = [512, 1], strides = [1, 1]} : vector<512x16xf32> to vector<512x1xf32>
    %mul3A_76 = vector.broadcast %slice3A_75 : vector<512x1xf32> to vector<512x128xf32>
    %mul3A_77 = arith.mulf %slice3A_74, %mul3A_76 : vector<512x128xf32>
    %add3A_78 = arith.addf %add3A_73, %mul3A_77 : vector<512x128xf32>
    %slice3A_79 = vector.extract_strided_slice %get3A_1 {offsets = [0, 384], sizes = [512, 128], strides = [1, 1]} : vector<512x512xf32> to vector<512x128xf32>
    %slice3A_80 = vector.extract_strided_slice %get3A_4 {offsets = [0, 15], sizes = [512, 1], strides = [1, 1]} : vector<512x16xf32> to vector<512x1xf32>
    %mul3A_81 = vector.broadcast %slice3A_80 : vector<512x1xf32> to vector<512x128xf32>
    %mul3A_82 = arith.mulf %slice3A_79, %mul3A_81 : vector<512x128xf32>
    %add3A_83 = arith.addf %add3A_78, %mul3A_82 : vector<512x128xf32>
    %concatenate3A = tpu.concatenate %add3A_26, %add3A_45, %add3A_64, %add3A_83 in 1 : vector<512x128xf32>, vector<512x128xf32>, vector<512x128xf32>, vector<512x128xf32> -> vector<512x512xf32>
    %get3A_84 = arith.constant 0 : index
    %get3A_85 = arith.constant 0 : index
    %get3A_86 = vector.load %arg4[%get3A_84, %get3A_85] : memref<512x256xf32, #tpu.memory_space<vmem>>, vector<512x256xf32>
    %dot_general3A = arith.constant dense<0.000000e+00> : vector<512x256xf32>
    %dot_general3A_87 = tpu.matmul %concatenate3A, %get3A_86, %dot_general3A {dimension_numbers = #tpu.dot_dimension_numbers<[1], [0], [0], [1], [0, 0, 1, 1], [], []>, transpose_lhs_hint = false} : vector<512x512xf32>, vector<512x256xf32>, vector<512x256xf32> -> vector<512x256xf32>
    %get3A_88 = arith.constant 0 : index
    %get3A_89 = arith.constant 0 : index
    %get3A_90 = vector.load %arg6[%get3A_88, %get3A_89] : memref<1x256xf32, #tpu.memory_space<vmem>>, vector<1x256xf32>
    %add3A_91 = vector.broadcast %get3A_90 : vector<1x256xf32> to vector<512x256xf32>
    %add3A_92 = arith.addf %dot_general3A_87, %add3A_91 : vector<512x256xf32>
    %ge3A = arith.constant 0.000000e+00 : f32
    %ge3A_93 = vector.broadcast %ge3A : f32 to vector<512x256xf32>
    %ge3A_94 = arith.cmpf oge, %add3A_92, %ge3A_93 : vector<512x256xf32>
    %mul3A_95 = vector.broadcast %get3A_7 : vector<1x1xf32> to vector<512x256xf32>
    %mul3A_96 = arith.mulf %mul3A_95, %add3A_92 : vector<512x256xf32>
    %select_n3A = arith.select %ge3A_94, %add3A_92, %mul3A_96 : vector<512x256xi1>, vector<512x256xf32>
    %max3A = arith.constant 0.000000e+00 : f32
    %max3A_97 = vector.broadcast %max3A : f32 to vector<512x256xf32>
    %max3A_98 = arith.maximumf %select_n3A, %max3A_97 : vector<512x256xf32>
    %slice3A_99 = vector.extract_strided_slice %max3A_98 {offsets = [0, 0], sizes = [512, 64], strides = [1, 1]} : vector<512x256xf32> to vector<512x64xf32>
    %slice3A_100 = vector.extract_strided_slice %max3A_98 {offsets = [0, 64], sizes = [512, 64], strides = [1, 1]} : vector<512x256xf32> to vector<512x64xf32>
    %add3A_101 = arith.addf %slice3A_99, %slice3A_100 : vector<512x64xf32>
    %slice3A_102 = vector.extract_strided_slice %max3A_98 {offsets = [0, 128], sizes = [512, 64], strides = [1, 1]} : vector<512x256xf32> to vector<512x64xf32>
    %add3A_103 = arith.addf %add3A_101, %slice3A_102 : vector<512x64xf32>
    %mul3A_104 = arith.constant 0.333333343 : f32
    %mul3A_105 = vector.broadcast %mul3A_104 : f32 to vector<512x64xf32>
    %mul3A_106 = arith.mulf %add3A_103, %mul3A_105 : vector<512x64xf32>
    %slice3A_107 = vector.extract_strided_slice %max3A_98 {offsets = [0, 192], sizes = [512, 64], strides = [1, 1]} : vector<512x256xf32> to vector<512x64xf32>
    %mul3A_108 = arith.constant 5.000000e-01 : f32
    %mul3A_109 = vector.broadcast %mul3A_108 : f32 to vector<512x64xf32>
    %mul3A_110 = arith.mulf %mul3A_109, %slice3A_107 : vector<512x64xf32>
    %get3A_111 = arith.constant 0 : index
    %get3A_112 = arith.constant 0 : index
    %get3A_113 = vector.load %arg3[%get3A_111, %get3A_112] : memref<512x64xf32, #tpu.memory_space<vmem>>, vector<512x64xf32>
    %add3A_114 = arith.addf %mul3A_110, %get3A_113 : vector<512x64xf32>
    %get3A_115 = arith.constant 0 : index
    %get3A_116 = arith.constant 0 : index
    %get3A_117 = vector.load %arg5[%get3A_115, %get3A_116] : memref<64x64xf32, #tpu.memory_space<vmem>>, vector<64x64xf32>
    %dot_general3A_118 = arith.constant dense<0.000000e+00> : vector<512x64xf32>
    %dot_general3A_119 = tpu.matmul %add3A_114, %get3A_117, %dot_general3A_118 {dimension_numbers = #tpu.dot_dimension_numbers<[1], [0], [0], [1], [0, 0, 1, 1], [], []>, transpose_lhs_hint = false} : vector<512x64xf32>, vector<64x64xf32>, vector<512x64xf32> -> vector<512x64xf32>
    %get3A_120 = arith.constant 0 : index
    %get3A_121 = arith.constant 0 : index
    %get3A_122 = vector.load %arg10[%get3A_120, %get3A_121] : memref<1x64xf32, #tpu.memory_space<vmem>>, vector<1x64xf32>
    %slice3A_123 = vector.extract_strided_slice %mul3A_106 {offsets = [511, 0], sizes = [1, 64], strides = [1, 1]} : vector<512x64xf32> to vector<1x64xf32>
    %swap3A = arith.constant 0 : index
    %swap3A_124 = arith.constant 0 : index
    %swap3A_125 = vector.load %arg10[%swap3A, %swap3A_124] : memref<1x64xf32, #tpu.memory_space<vmem>>, vector<1x64xf32>
    tpu.vector_store %arg10[%swap3A, %swap3A_124], %slice3A_123 {strides = array<i32>} : memref<1x64xf32, #tpu.memory_space<vmem>>, vector<1x64xf32>,
    %eq3A = arith.constant 0 : i32
    %eq3A_126 = arith.cmpi eq, %arg0, %eq3A : i32
    %convert_element_type3A = arith.extui %eq3A_126 : i1 to i32
    %cond3A = arith.constant 0 : i32
    %cond3A_127 = arith.cmpi ne, %convert_element_type3A, %cond3A : i32
    scf.if %cond3A_127 {
      %slice3A_157 = vector.extract_strided_slice %dot_general3A_119 {offsets = [0, 0], sizes = [1, 64], strides = [1, 1]} : vector<512x64xf32> to vector<1x64xf32>
      %swap3A_158 = arith.constant 0 : index
      %swap3A_159 = arith.constant 0 : index
      %swap3A_160 = vector.load %arg11[%swap3A_158, %swap3A_159] : memref<1x64xf32, #tpu.memory_space<vmem>>, vector<1x64xf32>
      tpu.vector_store %arg11[%swap3A_158, %swap3A_159], %slice3A_157 {strides = array<i32>} : memref<1x64xf32, #tpu.memory_space<vmem>>, vector<1x64xf32>,
    } else {
    }
    %slice3A_128 = vector.extract_strided_slice %mul3A_106 {offsets = [0, 0], sizes = [511, 64], strides = [1, 1]} : vector<512x64xf32> to vector<511x64xf32>
    %concatenate3A_129 = tpu.concatenate %get3A_122, %slice3A_128 in 0 : vector<1x64xf32>, vector<511x64xf32> -> vector<512x64xf32>
    %mul3A_130 = arith.mulf %dot_general3A_119, %mul3A_106 : vector<512x64xf32>
    %reduce_sum3A = arith.constant dense<0.000000e+00> : vector<512xf32>
    %reduce_sum3A_131 = vector.multi_reduction <add>, %mul3A_130, %reduce_sum3A [1] : vector<512x64xf32> to vector<512xf32>
    %broadcast_in_dim3A = vector.shape_cast %reduce_sum3A_131 : vector<512xf32> to vector<512x1xf32>
    %mul3A_132 = arith.mulf %dot_general3A_119, %concatenate3A_129 : vector<512x64xf32>
    %reduce_sum3A_133 = arith.constant dense<0.000000e+00> : vector<512xf32>
    %reduce_sum3A_134 = vector.multi_reduction <add>, %mul3A_132, %reduce_sum3A_133 [1] : vector<512x64xf32> to vector<512xf32>
    %broadcast_in_dim3A_135 = vector.shape_cast %reduce_sum3A_134 : vector<512xf32> to vector<512x1xf32>
    %add3A_136 = vector.broadcast %get3A_10 : vector<1x1xf32> to vector<512x1xf32>
    %add3A_137 = arith.addf %broadcast_in_dim3A, %add3A_136 : vector<512x1xf32>
    %mul3A_138 = arith.constant 512 : i32
    %mul3A_139 = arith.muli %arg0, %mul3A_138 : i32
    %swap3A_140 = arith.index_cast %mul3A_139 : i32 to index
    %swap3A_141 = arith.constant 0 : index
    %swap3A_142 = vector.load %arg9[%swap3A_140, %swap3A_141] : memref<32768x1xf32, #tpu.memory_space<vmem>>, vector<512x1xf32>
    tpu.vector_store %arg9[%swap3A_140, %swap3A_141], %add3A_137 {strides = array<i32>} : memref<32768x1xf32, #tpu.memory_space<vmem>>, vector<512x1xf32>,
    %add3A_143 = vector.broadcast %get3A_10 : vector<1x1xf32> to vector<512x1xf32>
    %add3A_144 = arith.addf %broadcast_in_dim3A_135, %add3A_143 : vector<512x1xf32>
    %mul3A_145 = arith.constant 512 : i32
    %mul3A_146 = arith.muli %arg0, %mul3A_145 : i32
    %add3A_147 = arith.constant 16384 : i32
    %add3A_148 = arith.addi %add3A_147, %mul3A_146 : i32
    %swap3A_149 = arith.index_cast %add3A_148 : i32 to index
    %swap3A_150 = arith.constant 0 : index
    %swap3A_151 = vector.load %arg9[%swap3A_149, %swap3A_150] : memref<32768x1xf32, #tpu.memory_space<vmem>>, vector<512x1xf32>
    tpu.vector_store %arg9[%swap3A_149, %swap3A_150], %add3A_144 {strides = array<i32>} : memref<32768x1xf32, #tpu.memory_space<vmem>>, vector<512x1xf32>,
    %eq3A_152 = arith.constant 31 : i32
    %eq3A_153 = arith.cmpi eq, %arg0, %eq3A_152 : i32
    %convert_element_type3A_154 = arith.extui %eq3A_153 : i1 to i32
    %cond3A_155 = arith.constant 0 : i32
    %cond3A_156 = arith.cmpi ne, %convert_element_type3A_154, %cond3A_155 : i32
    scf.if %cond3A_156 {
      %get3A_157 = arith.constant 0 : index
      %get3A_158 = arith.constant 0 : index
      %get3A_159 = vector.load %arg11[%get3A_157, %get3A_158] : memref<1x64xf32, #tpu.memory_space<vmem>>, vector<1x64xf32>
      %slice3A_160 = vector.extract_strided_slice %mul3A_106 {offsets = [511, 0], sizes = [1, 64], strides = [1, 1]} : vector<512x64xf32> to vector<1x64xf32>
      %mul3A_161 = arith.mulf %get3A_159, %slice3A_160 : vector<1x64xf32>
      %reduce_sum3A_162 = arith.constant dense<0.000000e+00> : vector<1xf32>
      %reduce_sum3A_163 = vector.multi_reduction <add>, %mul3A_161, %reduce_sum3A_162 [1] : vector<1x64xf32> to vector<1xf32>
      %broadcast_in_dim3A_164 = vector.shape_cast %reduce_sum3A_163 : vector<1xf32> to vector<1x1xf32>
      %add3A_165 = arith.addf %broadcast_in_dim3A_164, %get3A_10 : vector<1x1xf32>
      %swap3A_166 = arith.constant 16384 : index
      %swap3A_167 = arith.constant 0 : index
      %swap3A_168 = vector.load %arg9[%swap3A_166, %swap3A_167] : memref<32768x1xf32, #tpu.memory_space<vmem>>, vector<1x1xf32>
      tpu.vector_store %arg9[%swap3A_166, %swap3A_167], %add3A_165 {strides = array<i32>} : memref<32768x1xf32, #tpu.memory_space<vmem>>, vector<1x1xf32>,
    } else {
    }
    return
  }
  func.func @transform_0(%arg0: i32) -> (i32, i32) {
    %c0_i32 = arith.constant 0 : i32
    %c0_i32_0 = arith.constant 0 : i32
    return %arg0, %c0_i32 : i32, i32
  }
  func.func @transform_1(%arg0: i32) -> (i32, i32) {
    %c0_i32 = arith.constant 0 : i32
    %c0_i32_0 = arith.constant 0 : i32
    return %arg0, %c0_i32 : i32, i32
  }
  func.func @transform_2(%arg0: i32) -> (i32, i32) {
    %c0_i32 = arith.constant 0 : i32
    %c0_i32_0 = arith.constant 0 : i32
    return %arg0, %c0_i32 : i32, i32
  }
  func.func @transform_3(%arg0: i32) -> (i32, i32) {
    %c0_i32 = arith.constant 0 : i32
    %c0_i32_0 = arith.constant 0 : i32
    %c0_i32_1 = arith.constant 0 : i32
    return %c0_i32, %c0_i32_0 : i32, i32
  }
  func.func @transform_4(%arg0: i32) -> (i32, i32) {
    %c0_i32 = arith.constant 0 : i32
    %c0_i32_0 = arith.constant 0 : i32
    %c0_i32_1 = arith.constant 0 : i32
    return %c0_i32, %c0_i32_0 : i32, i32
  }
  func.func @transform_5(%arg0: i32) -> (i32, i32) {
    %c0_i32 = arith.constant 0 : i32
    %c0_i32_0 = arith.constant 0 : i32
    %c0_i32_1 = arith.constant 0 : i32
    return %c0_i32, %c0_i32_0 : i32, i32
  }
  func.func @transform_6(%arg0: i32) -> (i32, i32) {
    %c0_i32 = arith.constant 0 : i32
    %c0_i32_0 = arith.constant 0 : i32
    %c0_i32_1 = arith.constant 0 : i32
    return %c0_i32, %c0_i32_0 : i32, i32
  }
  func.func @transform_7(%arg0: i32) -> (i32, i32) {
    %c0_i32 = arith.constant 0 : i32
    %c0_i32_0 = arith.constant 0 : i32
    %c0_i32_1 = arith.constant 0 : i32
    return %c0_i32, %c0_i32_0 : i32, i32
  }
  func.func @transform_8(%arg0: i32) -> (i32, i32) {
    %c0_i32 = arith.constant 0 : i32
    %c0_i32_0 = arith.constant 0 : i32
    %c0_i32_1 = arith.constant 0 : i32
    return %c0_i32, %c0_i32_0 : i32, i32
  }
}

</mosaic_0001>

<sc_bundles>
// kernel: sparse-core-data-format-call.cloned.1.call-start
scs
called_computation_lowered:
.L_overlay_start_0:
0x0: {  	s2 =	sld [smem:$0x3FD9]  }
0x1: {  	s3 =	sld [smem:$0x3FFE];
	_ =	sdelay $0x1  }
0x2: {  	s1 =	srdreg.scid  }
0x3: {  	s0 =	sand.u32 $0x1, s1  }
0x4: {  	s18 =	sshll.u32 s0, $0xA;
	s2 =	sadd.s32 s3, s2  }
0x5: {  	s2 =	sadd.s32 s2, s18  }
0x6: {  	[smem:$0x3FC0] =	sst s2  }
0x7: {  	_ = 	snop  }
0x8: {  	s2 =	sld [smem:$0x3FC9];
	(tm) =	ssettm $0x1  }
0x9: {  	s19 =	sld [smem:$0x3FFB];
	_ =	sdelay $0x3  }
0xa: {  	_ =	strace s19  }
0xb: {  	s3 =	sld [smem:$0x3FFC];
	_ =	sdelay $0x3  }
0xc: {  	_ =	strace s3  }
0xd: {  	s3 =	sld [smem:$0x3FFD];
	_ =	sdelay $0x3  }
0xe: {  	_ =	strace s3  }
0xf: {  	_ =	strace $0x8FFFFFFF  }
0x10: {  	s20 =	sld [smem:$0x3FDB];
	_ =	sdelay $0x1  }
0x11: {  	s4 =	simm.s32 $_scs_section_size  }
0x12: {  	s5 =	simm.s32 $_size__tile_overlayer_lowered;
	s6 =	simm.s32 $_tile_overlayer_lowered  }
0x13: {  	s23 =	simm.s32 $0x1BFF;
	s22 =	sshll.u32 s6, $0x1;
	s3 =	sadd.s32 s4, s20  }
0x14: {  	s7 =	simm.s32 $0x0;
	s21 =	sshll.u32 s5, $0x1;
	s5 =	sadd.s32 s22, s3  }
0x15: {  	[timem:s7], [sflag:s23] =	dma.local [hbm:s5], s21  }
0x16: {  	_ =	swait.ge [sflag:s23], s21  }
0x17: {  	s4 =	ssub.s32 $0x0, s21;
	[sflag:s23] =	ssyncset.done $0x0  }
0x18: {  	[sflag:s23] =	ssyncadd.s32 s4;
	_ =	sdelay $0x1  }
0x19: {  	s24 =	simm.s32 $0x1B8B  }
0x1a: {  	_ =	swait.ge [sflag:s24], $0x1  }
0x1b: {  	[sflag:s24] =	ssyncset.done $0x0  }
0x1c: {  	s26 =	simm.s32 $0x1B8E;
	s25 =	sld [smem:$0x3FFE];
	[sflag:s24] =	ssyncadd.s32 $0xFFFFFFFF  }
0x1d: {  	s27 =	simm.s32 $execute0_lowered;
	[smem:$0x3FD2] =	sst s26  }
0x1e: {  	s5 =	sshll.u32 s27, $0x1;
	_ =	strace $0x80000046;
	[dreg:$0x1] =	wrdreg $0xFFFFFFFF  }
0x1f: {  	s28 =	simm.s32 $_size_execute0_lowered;
	s3 =	sadd.s32 s3, s5;
	[dreg:$0x0] =	wrdreg $0x0  }
0x20: {  	s5 =	sshll.u32 s28, $0x1;
	[dreg:$0x2] =	wrdreg s3  }
0x21: {  	[dreg:$0x3] =	wrdreg s5  }
0x22: {  	[dreg:$0x4] =	wrdreg $0xC0  }
0x23: {  	_ =	task [dreg:s7], $0x5FFFF  }
0x24: {  	[dreg:$0x1] =	wrdreg $0xFFFFFFFF  }
0x25: {  	[dreg:$0x0] =	wrdreg $0x60  }
0x26: {  	[dreg:$0x2] =	wrdreg s2  }
0x27: {  	[dreg:$0x3] =	wrdreg s25  }
0x28: {  	[dreg:$0x4] =	wrdreg $0x9  }
0x29: {  	_ =	task.clear_ibuf [dreg:s7], $0x5FFFF;
	_ =	strace $0x90000046  }
0x2a: {  	s29 =	simm.s32 $0x9;
	_ =	strace $0x80000048  }
0x2b: {  	_ =	swait.ge [sflag:s29], $0x1  }
0x2c: {  	[sflag:s29] =	ssyncadd.s32 $0xFFFFFFFF  }
0x2d: {  	_ =	strace $0x90000048  }
0x2e: {  	_ =	sfence  }
0x2f: {  	s30 =	sld [smem:$0x0];
	_ =	sdelay $0x2  }
0x30: {  	s31 =	sshll.u32 s1, $0xD;
	s1 =	sshrl.u32 s1, $0x2  }
0x31: {  	s3 =	sand.u32 $0x4000, s31;
	s1 =	sadd.s32 s1, s30  }
0x32: {  	s0 =	sor.u32 s3, s0;
	s1 =	sshll.u32 s1, $0x11  }
0x33: {  	s0 =	sor.u32 s1, s0  }
0x34: {  	s0 =	sadd.s32 $0x8F2B, s0  }
0x35: {  	[sflag:s0] =	ssyncadd.remote.s32 $0x1  }
0x36: {  	_ =	sfence.sel $0xFFFF  }
0x37: {  	[dreg:$0x0] =	wrdreg $0xFFFFFFFF;
	(pc) =	sbr.abs _section_cstart, $3  }
0x38: {  	[dreg:$0x1] =	wrdreg $0xFFFFFFFF  }
0x39: {  	_ =	task.clear_ibuf [dreg:s7], $0x2FFFF;
	_ =	strace $0x9FFFFFFF  }
0x3a: {  	(tm) =	ssettm $0x7FFFFFFF  }
0x3b: {  	_ =	shalt  }
tec
execute0_lowered:
.L_overlay_start_1:
0x0: {  	(tag) =	ssettag $0x1  }
0x1: {  	s0 =	srdreg.scid  }
0x2: {  	s1 =	sshll.u32 s0, $0x4  }
0x3: {  	s2 =	rddreg [dreg:$0x0];
	s0 =	stileid.u32;
	s1 =	sand.u32 $0x10, s1  }
0x4: {  	s4 =	rddreg [dreg:$0x1];
	s7 =	simm.s32 $0x1;
	s1 =	sor.u32 s0, s1  }
0x5: {  	s8 =	simm.s32 $0x2;
	s9 =	simm.s32 $0x0;
	s3 =	sshll.u32 s1, $0x2  }
0x6: {  	s12 =	simm.s32 $0x0;
	s11 =	simm.s32 $0x0;
	s6 =	ssub.s32 $0x800, s3  }
.Ltmp0:
0x7: {  	s4 =	sadd.s32 $0xE00, s4;
	s5 =	sand.u32 $0x7C, s6;
	(pc) =	sbr.rel .LBB1_1-.Ltmp0, $4  }
0x8: {  	s1 =	rddreg [dreg:$0x2];
	_ =	strace $0x80000047;
	p0 =	sne.s32 s5, $0x0  }
0x9: {  	s6 =	sshrl.u32 s6, $0x7;
	s5 =	simm.s32 $0x1;
	s7 =	simm.s32 @!p0 $0x0  }
0xa: {  	s10 =	smov.u32 s3;
	[sflag:s5] =	ssyncpa.u1 $0x0;
	s6 =	sadd.s32 s7, s6  }
0xb: {  	[sflag:s8] =	ssyncpa.u1 $0x0;
	s8 =	simm.s32 $0x0;
	s7 =	sadd.s32 $0x1, s6  }
.LBB1_9:
0xc: {  	s14 =	sadd.s32 $0x80, s10  }
0xd: {  	p1 =	sgt.s32 s14, $0x7FF  }
0xe: {  	s14 =	smov.u32 @p1 s3;
	p1 =	sne.s32 s11, s7  }
.Ltmp1:
0xf: {  	p0 =	slt.u32 s11, $0x2;
	(pc) =	sbr.rel @!p1 .LBB1_10-.Ltmp1, $4  }
0x10: {  	s13 =	simm.s32 @!p0 $0x2  }
0x11: {  	s15 =	sadd.s32 $0x1, s11;
	_ =	swait.ge @!p0 [sflag:s13], $0x4000  }
0x12: {  	s12 =	smov.u32 s10;
	s9 =	sadd.s32 $0x4000, s9;
	[sflag:s13] =	ssyncset.done @!p0 $0x0  }
0x13: {  	s11 =	smov.u32 s15;
	s10 =	smov.u32 s14;
	[sflag:s13] =	ssyncadd.s32 @!p0 $0xFFFFC000  }
.LBB1_1:
0x14: {  	p0 =	sge.u32 s11, s6  }
0x15: {  	s13 =	sxor.u32 @!p0 $0xFFFFFFFF, s11  }
0x16: {  	s31 =	sadd.s32 $0xFFFFFFFF, s11;
	s14 =	sshll.u32 @!p0 s10, $0x9;
	s13 =	sshll.u32 @!p0 s13, $0xE  }
0x17: {  	s15 =	simm.s32 @!p0 $0x0;
	s14 =	sadd.s32 @!p0 s2, s14;
	s13 =	sand.u32 @!p0 $0x4000, s13  }
0x18: {  	[tilespmem:s13], [sflag:$0x1] =	stream.linear.gather @!p0 [hbm4b:s14+s15], $0x4000, $0x38;
	[tilespmem:$0x10000] =	vst v63  }
0x19: {  	p0 =	sge.u32 s31, s6  }
.Ltmp2:
0x1a: {  	_ = 	snop;
	(pc) =	sbr.rel @p0 .LBB1_9-.Ltmp2, $1  }
0x1b: {  	_ =	sdelay $0x3  }
0x1c: {  	s14 =	sand.u32 $0x4000, s9  }
0x1d: {  	_ =	swait.ge [sflag:s5], $0x4000;
	s15 =	sshll.u32 s11, $0xE;
	s16 =	simm.s32 $0x0  }
0x1e: {  	s13 =	sor.u32 $0x8040, s14;
	[sflag:s5] =	ssyncset.done $0x0;
	s15 =	sand.u32 $0x4000, s15  }
0x1f: {  	s14 =	sor.u32 $0x40, s14;
	[sflag:s5] =	ssyncadd.s32 $0xFFFFC000;
	s15 =	sor.u32 $0x8000, s15  }
.LBB1_3:
0x20: {  	s17 =	smov.u32 s14;
	s18 =	smov.u32 s13;
	s19 =	simm.s32 $0x0  }
.LBB1_4:
0x21: {  	v0 =	vmov s17;
	_ =	sdelay $0x3  }
0x22: {  	s21 =	simm.s32 $0x0  }
0x23: {  	v6 =	vld.idx.msk [tilespmem:v0+s21+$0x30 ss:$0x1], $0xffff  }
0x24: {  	v7 =	vld.idx.msk [tilespmem:v0+s21+$0xFFFFFFC0 ss:$0x1], $0xffff  }
0x25: {  	v5 =	vld.idx.msk [tilespmem:v0+s21+$0xFFFFFFD0 ss:$0x1], $0xffff  }
0x26: {  	v4 =	vld.idx.msk [tilespmem:v0+s21+$0xFFFFFFE0 ss:$0x1], $0xffff  }
0x27: {  	v3 =	vld.idx.msk [tilespmem:v0+s21+$0xFFFFFFF0 ss:$0x1], $0xffff  }
0x28: {  	v1 =	vld.idx.msk [tilespmem:v0+s21+$0x0 ss:$0x1], $0xffff  }
0x29: {  	v2 =	vld.idx.msk [tilespmem:v0+s21+$0x10 ss:$0x1], $0xffff;
	[tilespmem:s18+$0x30] =	vst v6  }
0x2a: {  	s20 =	simm.s32 $0x80;
	s22 =	simm.s32 $0x400;
	[tilespmem:s18+$0xFFFFFFC0] =	vst v7;
	v6 =	vld.idx.msk [tilespmem:v0+s21+$0x20 ss:$0x1], $0xffff;
	s21 =	smov.u32 s18  }
.LBB1_5:
0x2b: {  	p0 =	sne.s32 s22, $0x600;
	v7 =	vld.idx.msk [tilespmem:v0+s20+$0x30 ss:$0x1], $0xffff;
	[tilespmem:s21+$0xFFFFFFD0] =	vst v5  }
0x2c: {  	v8 =	vld.idx.msk [tilespmem:v0+s20+$0xFFFFFFC0 ss:$0x1], $0xffff;
	[tilespmem:s21+$0xFFFFFFE0] =	vst v4  }
0x2d: {  	v5 =	vld.idx.msk [tilespmem:v0+s20+$0xFFFFFFD0 ss:$0x1], $0xffff;
	[tilespmem:s21+$0xFFFFFFF0] =	vst v3  }
.Ltmp3:
0x2e: {  	v4 =	vld.idx.msk [tilespmem:v0+s20+$0xFFFFFFE0 ss:$0x1], $0xffff;
	[tilespmem:s21+$0x0] =	vst v1;
	(pc) =	sbr.rel @p0 .LBB1_5-.Ltmp3, $4  }
0x2f: {  	v3 =	vld.idx.msk [tilespmem:v0+s20+$0xFFFFFFF0 ss:$0x1], $0xffff;
	[tilespmem:s21+$0x10] =	vst v2  }
0x30: {  	v1 =	vld.idx.msk [tilespmem:v0+s20+$0x0 ss:$0x1], $0xffff;
	[tilespmem:s21+$0x20] =	vst v6;
	s21 =	sadd.s32 $0x400, s21  }
0x31: {  	v2 =	vld.idx.msk [tilespmem:v0+s20+$0x10 ss:$0x1], $0xffff;
	[tilespmem:s21+$0x30] =	vst v7  }
0x32: {  	[tilespmem:s21+$0xFFFFFFC0] =	vst v8;
	v6 =	vld.idx.msk [tilespmem:v0+s20+$0x20 ss:$0x1], $0xffff;
	s20 =	sshra.s32 s22, $0x2;
	s22 =	sadd.s32 $0x200, s22  }
0x33: {  	_ =	sdelay $0x2  }
0x34: {  	[tilespmem:s21+$0xFFFFFFD0] =	vst v5  }
0x35: {  	v56 =	vld.idx.msk [tilespmem:v0+s20+$0x30 ss:$0x1], $0xffff;
	[tilespmem:s21+$0xFFFFFFE0] =	vst v4  }
0x36: {  	v57 =	vld.idx.msk [tilespmem:v0+s20+$0xFFFFFFC0 ss:$0x1], $0xffff;
	[tilespmem:s21+$0xFFFFFFF0] =	vst v3  }
0x37: {  	v58 =	vld.idx.msk [tilespmem:v0+s20+$0xFFFFFFD0 ss:$0x1], $0xffff;
	[tilespmem:s21+$0x0] =	vst v1  }
0x38: {  	v59 =	vld.idx.msk [tilespmem:v0+s20+$0xFFFFFFE0 ss:$0x1], $0xffff;
	[tilespmem:s21+$0x10] =	vst v2  }
0x39: {  	v60 =	vld.idx.msk [tilespmem:v0+s20+$0xFFFFFFF0 ss:$0x1], $0xffff;
	s31 =	sadd.s32 $0x400, s21;
	[tilespmem:s21+$0x20] =	vst v6  }
0x3a: {  	v61 =	vld.idx.msk [tilespmem:v0+s20+$0x0 ss:$0x1], $0xffff;
	[tilespmem:s31+$0x30] =	vst v56  }
0x3b: {  	v62 =	vld.idx.msk [tilespmem:v0+s20+$0x10 ss:$0x1], $0xffff;
	s19 =	sadd.s32 $0x1, s19;
	[tilespmem:s31+$0xFFFFFFC0] =	vst v57  }
0x3c: {  	v63 =	vld.idx.msk [tilespmem:v0+s20+$0x20 ss:$0x1], $0xffff;
	p0 =	sne.s32 s19, $0x8;
	[tilespmem:s31+$0xFFFFFFD0] =	vst v58  }
.Ltmp4:
0x3d: {  	[tilespmem:s31+$0xFFFFFFE0] =	vst v59;
	(pc) =	sbr.rel @p0 .LBB1_4-.Ltmp4, $4  }
0x3e: {  	[tilespmem:s31+$0xFFFFFFF0] =	vst v60  }
0x3f: {  	[tilespmem:s31+$0x0] =	vst v61  }
0x40: {  	[tilespmem:s31+$0x10] =	vst v62  }
0x41: {  	s18 =	sadd.s32 $0x80, s18;
	s17 =	sadd.s32 $0x200, s17;
	[tilespmem:s31+$0x20] =	vst v63  }
0x42: {  	s16 =	sadd.s32 $0x1, s16  }
0x43: {  	p0 =	sne.s32 s16, $0x4  }
.Ltmp5:
0x44: {  	_ = 	snop;
	(pc) =	sbr.rel @p0 .LBB1_3-.Ltmp5, $2  }
0x45: {  	_ =	sdelay $0x2  }
0x46: {  	s13 =	sadd.s32 $0x1000, s13;
	s14 =	sadd.s32 $0x1000, s14  }
.Ltmp6:
0x47: {  	(pc) =	sbr.rel .LBB1_9-.Ltmp6, $4  }
0x48: {  	_ = 	snop  }
0x49: {  	s12 =	sshll.u32 s12, $0x9  }
0x4a: {  	s12 =	sadd.s32 s4, s12  }
0x4b: {  	[hbm4b:s12+s8] =	stream.linear.scatter [tilespmem:s15], [sflag:$0x2], $0x4000, $0x38;
	[tilespmem:$0x10000] =	vst v63  }
.LBB1_10:
0x4c: {  	_ =	sfence.sel $0x180000  }
0x4d: {  	s2 =	simm.s32 $0x1;
	[bflag:$0x0] =	sbarrier.arrive $0xFFFF  }
0x4e: {  	s31 =	simm.s32 $0x2;
	[sflag:s2] =	ssyncpa.u1 $0x1  }
0x4f: {  	[sflag:s31] =	ssyncpa.u1 $0x1  }
0x50: {  	p0 =	sne.s32 s0, $0x0;
	_ =	strace $0x90000047  }
0x51: {  	s0 =	sadd.s32 @!p0 $0x100000, s1;
	[bflag:$0x2] =	sbarrier.arrive $0xFFFF  }
0x52: {  	[sflag:s0] =	ssyncadd.tile.s32 @!p0 $0x1;
	_ =	shalt  }
.Lfunc_end1:
_tile_overlayer_lowered:
.L_overlay_start_2:
0x53: {  	(tag) =	ssettag $0x2  }
0x54: {  	s0 =	rddreg [dreg:$0x0];
	s2 =	stileid.u32  }
0x55: {  	s1 =	rddreg [dreg:$0x1];
	p0 =	sne.s32 s2, $0x0  }
0x56: {  	s3 =	rddreg [dreg:$0x2];
	[bflag:$0x3] =	sbarrier.arrive $0xFFFF;
	s2 =	simm.s32 @!p0 $0x1C01  }
0x57: {  	[timem:s3], [sflag:s2] =	dma.local @!p0 [hbm:s0], s1  }
0x58: {  	s0 =	simm.s32 @!p0 $0x1  }
0x59: {  	_ =	swait.ge @!p0 [sflag:s0], s1  }
0x5a: {  	s1 =	ssub.s32 @!p0 $0x0, s1;
	[sflag:s0] =	ssyncset.done @!p0 $0x0  }
0x5b: {  	[sflag:s0] =	ssyncadd.s32 @!p0 s1  }
0x5c: {  	[bflag:$0x3] =	sbarrier.arrive $0xFFFF  }
0x5d: {  	_ =	shalt  }

</sc_bundles>
